<compile_context>
chip_gen: v7x
topology: tpu7x:2x2x1
jax: 0.10.2.dev20260603
libtpu: 0.0.44.dev20260713+nightly
codegen_flags: <defaults>
</compile_context>

<pallas_src>
import functools

import jax
import jax.numpy as jnp
from jax import lax
from jax.experimental import pallas as pl
from jax.experimental.pallas import tpu as pltpu
from jax.experimental.pallas import tpu_sc as plsc

L = 16


def _sc_body(pre_hbm, gt_hbm, tol_hbm, out_hbm, tolv, outv):
    sid = lax.axis_index("s")

    @pl.when(sid == 0)
    def _():
        pltpu.sync_copy(tol_hbm, tolv)
        outv[...] = tolv[...]
        pltpu.sync_copy(outv, out_hbm)


_probe = functools.partial(
    pl.kernel,
    out_type=jax.ShapeDtypeStruct((L,), jnp.float32),
    mesh=plsc.VectorSubcoreMesh(
        core_axis_name="c", subcore_axis_name="s", num_cores=1),
    scratch_types=[
        pltpu.VMEM((L,), jnp.float32),
        pltpu.VMEM((L,), jnp.float32),
    ],
    compiler_params=pltpu.CompilerParams(needs_layout_passes=False),
)(_sc_body)


def kernel(pre, gt, tolerance):
    p = pre.reshape(4 * 224 * 224)
    g = gt.reshape(4 * 224 * 224)
    tol = jnp.broadcast_to(jnp.asarray(tolerance, jnp.float32), (L,))
    out = _probe(p, g, tol)
    return out[0]

# --- scband reference (transcript-rebuilt; emitter-appended) ---
"""Pipeline reference for scband-perceptual-hausdorfff-loss-32272384262255 (READ-ONLY COPY).

The authoritative reference and input builder live on the scoring server;
editing this copy changes nothing except your own understanding.
"""

import jax, jax.numpy as jnp
import numpy as np

THRESH = 0.999


def skeletonize(arr):
    # Stand-in for the undefined skeletonize(): binary threshold producing a
    # sparse {0,1} mask, matching the downstream assumption that the mask
    # values are in {0,1} (relu(mask - 1) == 0 everywhere).
    return (arr > THRESH).astype(jnp.float32)


def cdist(x, y):
    # Euclidean pairwise distance (torch.cdist p=2), matmul formulation to
    # avoid materializing N x M x d differences.
    x2 = jnp.sum(x * x, axis=1, keepdims=True)
    y2 = jnp.sum(y * y, axis=1, keepdims=True)
    d2 = x2 + y2.T - 2.0 * (x @ y.T)
    return jnp.sqrt(jnp.maximum(d2, 0.0))


def get_points(arr):
    # arr: (1, W, H)
    sk = skeletonize(arr)[0]  # (W, H)
    W, H = sk.shape
    # Flat {0,1} validity mask over the W*H pixel grid. Each valid pixel i
    # stands for the one-hot point e_i of value 1.0 in R^{W*H} (relu(sk - 1)
    # is identically 0, so each point row is exactly a unit one-hot vector).
    return sk.reshape(W * H)


def p_hausdorff(XA, XB, tolerance=1):
    # XA, XB: flat {0,1} pixel masks whose valid entries denote unit one-hot
    # points. For one-hot points, x2 = y2 = 1 and x @ y.T is 1 iff the pixels
    # coincide, so cdist yields sqrt(max(1 + 1 - 2*[i == j], 0)): exactly 0.0
    # for a shared pixel and sqrt(2.0) otherwise. The row-wise minimum of
    # relu(d - tolerance) over the other point set is therefore
    # relu(0 - tolerance) when the pixel is valid in both masks (relu is
    # monotone, so this never exceeds the far-pixel value) and
    # relu(sqrt(2) - tolerance) otherwise; the means over the dynamically
    # sized point sets become masked sums divided by the point counts.
    d_same = jnp.sqrt(jnp.maximum(
        jnp.float32(1.0) + jnp.float32(1.0) - 2.0 * jnp.float32(1.0), 0.0))
    d_far = jnp.sqrt(jnp.maximum(
        jnp.float32(1.0) + jnp.float32(1.0) - 2.0 * jnp.float32(0.0), 0.0))
    v_same = jax.nn.relu(d_same - tolerance)
    v_far = jax.nn.relu(d_far - tolerance)
    min1 = jnp.where(XB > 0, jnp.minimum(v_same, v_far), v_far)
    min2 = jnp.where(XA > 0, jnp.minimum(v_same, v_far), v_far)
    nA = jnp.sum(XA)
    nB = jnp.sum(XB)
    return (jnp.sum(XA * min1) / nA
            + jnp.sum(XB * min2) / nB)


def setup_inputs(seed: int = 0) -> dict:
    key = jax.random.key(seed)
    k1, k2 = jax.random.split(key)
    pre = jax.random.uniform(k1, (4, 1, 224, 224), dtype=jnp.float32)
    gt = jax.random.uniform(k2, (4, 1, 224, 224), dtype=jnp.float32)
    return {"pre": pre, "gt": gt, "tolerance": 1}


def reference(pre, gt, tolerance=1):
    phd = []
    for b in range(pre.shape[0]):
        points1 = get_points(pre[b])
        points2 = get_points(gt[b])
        phd.append(p_hausdorff(points1, points2, tolerance=tolerance))
    return jnp.mean(jnp.stack(phd))

if __name__ == "__main__":
    import jax
    _d = setup_inputs()
    print(jax.jit(kernel)(*tuple(_d.values())))

</pallas_src>

<mosaic_0001>
#map = affine_map<(d0, d1) -> (0)>
module attributes {stable_mosaic.version = 14 : i64} {
  func.func @_sc_body(%arg0: i32, %arg1: i32, %arg2: memref<200704xf32, #tpu.memory_space<hbm>>, %arg3: memref<200704xf32, #tpu.memory_space<hbm>>, %arg4: memref<16xf32, #tpu.memory_space<hbm>>, %arg5: memref<16xf32, #tpu.memory_space<hbm>>, %arg6: memref<16xf32, #tpu.memory_space<vmem>>, %arg7: memref<16xf32, #tpu.memory_space<vmem>>) attributes {dimension_semantics = [#tpu.dimension_semantics<core_parallel>, #tpu.dimension_semantics<subcore_parallel>], iteration_bounds = array<i64: 1, 16>, scalar_prefetch = 0 : i64, scratch_operands = 2 : i64, tpu.core_type = #tpu.core_type<sc_vector_subcore>, window_params = [{transform_indices = #map}, {transform_indices = #map}, {transform_indices = #map}, {transform_indices = #map}]} {
    %eq3A = arith.constant 0 : i32
    %eq3A_0 = arith.cmpi eq, %arg1, %eq3A : i32
    %convert_element_type3A = arith.extui %eq3A_0 : i1 to i32
    %cond3A = arith.constant 0 : i32
    %cond3A_1 = arith.cmpi ne, %convert_element_type3A, %cond3A : i32
    scf.if %cond3A_1 {
      "tpu.region"() ({
        %run_scoped3A = tpu.sem_alloc : memref<!tpu.dma_semaphore, #tpu.memory_space<semaphore_mem>>
        tpu.enqueue_dma source(%arg4 : memref<16xf32, #tpu.memory_space<hbm>>) target(%arg6 : memref<16xf32, #tpu.memory_space<vmem>>) target_semaphore(%run_scoped3A : memref<!tpu.dma_semaphore, #tpu.memory_space<semaphore_mem>>)
        tpu.wait_dma2 semaphore(%run_scoped3A : memref<!tpu.dma_semaphore, #tpu.memory_space<semaphore_mem>>) src(%arg4 : memref<16xf32, #tpu.memory_space<hbm>>) dst(%arg6 : memref<16xf32, #tpu.memory_space<vmem>>)
        tpu.yield
      }) : () -> ()
      %get3A = arith.constant 0 : index
      %get3A_2 = tpu.vector_load %arg6[%get3A] {strides = array<i32>} : memref<16xf32, #tpu.memory_space<vmem>>, vector<16xf32>,
      %swap3A = arith.constant 0 : index
      %swap3A_3 = tpu.vector_load %arg7[%swap3A] {strides = array<i32>} : memref<16xf32, #tpu.memory_space<vmem>>, vector<16xf32>,
      tpu.vector_store %arg7[%swap3A], %get3A_2 {strides = array<i32>} : memref<16xf32, #tpu.memory_space<vmem>>, vector<16xf32>,
      "tpu.region"() ({
        %run_scoped3A = tpu.sem_alloc : memref<!tpu.dma_semaphore, #tpu.memory_space<semaphore_mem>>
        tpu.enqueue_dma source(%arg7 : memref<16xf32, #tpu.memory_space<vmem>>) target(%arg5 : memref<16xf32, #tpu.memory_space<hbm>>) target_semaphore(%run_scoped3A : memref<!tpu.dma_semaphore, #tpu.memory_space<semaphore_mem>>)
        tpu.wait_dma2 semaphore(%run_scoped3A : memref<!tpu.dma_semaphore, #tpu.memory_space<semaphore_mem>>) src(%arg7 : memref<16xf32, #tpu.memory_space<vmem>>) dst(%arg5 : memref<16xf32, #tpu.memory_space<hbm>>)
        tpu.yield
      }) : () -> ()
    } else {
    }
    return
  }
}

</mosaic_0001>

<sc_bundles>
// kernel: kernel.3.cloned.1.call-start
scs
__scs_entry_jumppad:
0x0: {  	(pc) =	sbr.rel $0x88, $3  }
0x1: {  	(tag) =	ssettag $0x0;
	lr =	simm.s32 $0x1  }
0x2: {  	[smem:$0x3F9E] =	sst lr;
	_ =	strace $0xD0000000  }
0x3: {  	_ = 	snop  }
0x4: {  	_ = 	snop  }
0x5: {  	_ = 	snop  }
0x6: {  	_ = 	snop  }
0x7: {  	_ = 	snop  }
__scs_overlays_trampoline_lowered:
0x8: {  	[smem:$0x3FAD] =	sst s0  }
0x9: {  	[smem:$0x3FAE] =	sst s1  }
0xa: {  	[smem:$0x3FAF] =	sst s2  }
0xb: {  	[smem:$0x3FB0] =	sst s3  }
0xc: {  	[smem:$0x3FB1] =	sst s4  }
0xd: {  	[smem:$0x3FB2] =	sst s5  }
0xe: {  	[smem:$0x3FB3] =	sst s6  }
0xf: {  	[smem:$0x3FB4] =	sst s7  }
0x10: {  	[smem:$0x3FB5] =	sst s8  }
0x11: {  	[smem:$0x3FB6] =	sst s9;
	s0 =	simm.s32 @!p0 $0x0  }
0x12: {  	s1 =	sld [smem:$0x3F9C];
	s0 =	simm.s32 @p0 $0x1  }
0x13: {  	[smem:$0x3FB7] =	sst s0;
	s0 =	simm.s32 @!p1 $0x0  }
0x14: {  	s2 =	sld [smem:$0x3F9B];
	s0 =	simm.s32 @p1 $0x1  }
0x15: {  	[smem:$0x3FB8] =	sst s0;
	s0 =	simm.s32 @!p2 $0x0  }
0x16: {  	s3 =	sld [smem:$0x3FDB];
	s0 =	simm.s32 @p2 $0x1  }
0x17: {  	s4 =	simm.s32 $0x1BF5;
	[smem:$0x3FBA] =	sst s0  }
0x18: {  	s0 =	sld [smem:$0x3F9D];
	_ =	swait.ge [sflag:s4], $0x0  }
0x19: {  	s7 =	sld [smem:$0x3F9E]  }
0x1a: {  	s8 =	sadd.s32 $0xFFFFE003, lr  }
0x1b: {  	s9 =	sadd.s32 $0xFFFFFEF7, lr;
	s5 =	simm.s32 $0xFFFFFFFF;
	p2 =	slt.u32 s8, $0xFFFFF086  }
0x1c: {  	p1 =	slt.u32 s9, $0xF7A;
	s5 =	simm.s32 @!p2 $0x0  }
0x1d: {  	s5 =	simm.s32 @p1 $0x1;
	p0 =	seq.s32 s7, s2  }
0x1e: {  	s7 =	smul.u32 @!p0 $0xF7A, s2;
	p2 =	seq.s32 @!p0 s5, $0x0  }
0x1f: {  	s9 =	smul.u32 $0xF7A, s1;
	s8 =	simm.s32 @!p0 $0x1BF5;
	p2 =	por !p2, p0  }
0x20: {  	[sflag:s8] =	ssyncset.s32 @!p0 $0xFFFFF086;
	s6 =	sadd.s32 @!p0 s3, s7;
	s7 =	simm.s32 @!p0 $0x108  }
0x21: {  	s3 =	sadd.s32 s3, s9;
	s6 =	sadd.s32 @!p0 $0x88, s6;
	s7 =	simm.s32 @p2 $0x1082  }
0x22: {  	[simem:s7], [sflag:s8] =	dma.local @!p0 [hbm:s6], $0xF7A  }
0x23: {  	s9 =	sor.u32 $0xD0000000, s2;
	s6 =	simm.s32 $0x108;
	_ =	swait.ge @!p0 [sflag:s8], $0x0  }
0x24: {  	s3 =	sadd.s32 $0x88, s3;
	s6 =	simm.s32 @!p1 $0x1082;
	[sflag:s4] =	ssyncset.s32 $0xFFFFF086  }
0x25: {  	[simem:s6], [sflag:s4] =	dma.local [hbm:s3], $0xF7A  }
0x26: {  	[smem:$0x3F9E] =	sst s1;
	(tag) =	ssettag s2;
	_ =	strace s9  }
0x27: {  	s1 =	sld [smem:$0x3FAE]  }
0x28: {  	s2 =	sld [smem:$0x3FAF]  }
0x29: {  	s4 =	sld [smem:$0x3FB1]  }
0x2a: {  	p0 =	seq.s32 s5, $0x0;
	s5 =	sld [smem:$0x3FB2]  }
0x2b: {  	s6 =	sld [smem:$0x3FB3]  }
0x2c: {  	s7 =	sld [smem:$0x3FB4]  }
0x2d: {  	s3 =	simm.s32 $0x108;
	s8 =	sld [smem:$0x3FB5]  }
0x2e: {  	s3 =	simm.s32 @!p0 $0x1082;
	s9 =	sld [smem:$0x3FB6]  }
0x2f: {  	lr =	sadd.s32 s0, s3;
	s0 =	sld [smem:$0x3FAD]  }
0x30: {  	s3 =	sld [smem:$0x3FB0]  }
0x31: {  	[smem:$0x3FB9] =	sst s10  }
0x32: {  	s10 =	sld [smem:$0x3FB7];
	_ =	sdelay $0x3  }
0x33: {  	p0 =	seq.s32 s10, $0x1;
	s10 =	sld [smem:$0x3FB9];
	_ =	sdelay $0x3  }
0x34: {  	[smem:$0x3FB9] =	sst s10  }
0x35: {  	s10 =	sld [smem:$0x3FB8];
	_ =	sdelay $0x3  }
0x36: {  	p1 =	seq.s32 s10, $0x1;
	s10 =	sld [smem:$0x3FB9];
	_ =	sdelay $0x3  }
0x37: {  	[smem:$0x3FB9] =	sst s10  }
0x38: {  	s10 =	sld [smem:$0x3FBA]  }
0x39: {  	_ = 	snop;
	(pc) =	sbr.ind lr, $3  }
0x3a: {  	_ = 	snop  }
0x3b: {  	_ = 	snop  }
0x3c: {  	p2 =	seq.s32 s10, $0x1;
	s10 =	sld [smem:$0x3FB9]  }
0x3d: {  	_ =	shalt  }
0x3e: {  	_ =	shalt  }
0x3f: {  	_ =	shalt  }
0x40: {  	_ =	shalt  }
0x41: {  	_ =	shalt  }
0x42: {  	_ =	shalt  }
0x43: {  	_ =	shalt  }
0x44: {  	_ =	shalt  }
0x45: {  	_ =	shalt  }
0x46: {  	_ =	shalt  }
0x47: {  	_ =	shalt  }
0x48: {  	_ =	shalt  }
0x49: {  	_ =	shalt  }
0x4a: {  	_ =	shalt  }
0x4b: {  	_ =	shalt  }
0x4c: {  	_ =	shalt  }
0x4d: {  	_ =	shalt  }
0x4e: {  	_ =	shalt  }
0x4f: {  	_ =	shalt  }
0x50: {  	_ =	shalt  }
0x51: {  	_ =	shalt  }
0x52: {  	_ =	shalt  }
0x53: {  	_ =	shalt  }
0x54: {  	_ =	shalt  }
0x55: {  	_ =	shalt  }
0x56: {  	_ =	shalt  }
0x57: {  	_ =	shalt  }
0x58: {  	_ =	shalt  }
0x59: {  	_ =	shalt  }
0x5a: {  	_ =	shalt  }
0x5b: {  	_ =	shalt  }
0x5c: {  	_ =	shalt  }
0x5d: {  	_ =	shalt  }
0x5e: {  	_ =	shalt  }
0x5f: {  	_ =	shalt  }
0x60: {  	_ =	shalt  }
0x61: {  	_ =	shalt  }
0x62: {  	_ =	shalt  }
0x63: {  	_ =	shalt  }
0x64: {  	_ =	shalt  }
0x65: {  	_ =	shalt  }
0x66: {  	_ =	shalt  }
0x67: {  	_ =	shalt  }
0x68: {  	_ =	shalt  }
0x69: {  	_ =	shalt  }
0x6a: {  	_ =	shalt  }
0x6b: {  	_ =	shalt  }
0x6c: {  	_ =	shalt  }
0x6d: {  	_ =	shalt  }
0x6e: {  	_ =	shalt  }
0x6f: {  	_ =	shalt  }
0x70: {  	_ =	shalt  }
0x71: {  	_ =	shalt  }
0x72: {  	_ =	shalt  }
0x73: {  	_ =	shalt  }
0x74: {  	_ =	shalt  }
0x75: {  	_ =	shalt  }
0x76: {  	_ =	shalt  }
0x77: {  	_ =	shalt  }
0x78: {  	_ =	shalt  }
0x79: {  	_ =	shalt  }
0x7a: {  	_ =	shalt  }
0x7b: {  	_ =	shalt  }
0x7c: {  	_ =	shalt  }
0x7d: {  	_ =	shalt  }
0x7e: {  	_ =	shalt  }
0x7f: {  	_ =	shalt  }
0x80: {  	_ =	shalt  }
0x81: {  	_ =	shalt  }
0x82: {  	_ =	shalt  }
0x83: {  	_ =	shalt  }
0x84: {  	_ =	shalt  }
0x85: {  	_ =	shalt  }
0x86: {  	_ =	shalt  }
0x87: {  	_ =	shalt  }
.Lfunc_end0:
.L_simem_size_0:
called_computation_lowered:
.L_overlay_start_0:
0x88: {  	s0 =	sld [smem:$0x3FD9]  }
0x89: {  	s1 =	sld [smem:$0x3FFE];
	_ =	sdelay $0x3  }
0x8a: {  	s0 =	sadd.s32 s1, s0  }
0x8b: {  	[smem:$0x3FC5] =	sst s0  }
0x8c: {  	_ = 	snop  }
0x8d: {  	s0 =	sld [smem:$0x3FD0];
	(tm) =	ssettm $0x1  }
0x8e: {  	s16 =	sld [smem:$0x3FFB];
	_ =	sdelay $0x3  }
0x8f: {  	_ =	strace s16  }
0x90: {  	s1 =	sld [smem:$0x3FFC];
	_ =	sdelay $0x3  }
0x91: {  	_ =	strace s1  }
0x92: {  	s1 =	sld [smem:$0x3FFD];
	_ =	sdelay $0x3  }
0x93: {  	_ =	strace s1  }
0x94: {  	_ =	strace $0x8FFFFFFF  }
0x95: {  	s17 =	sld [smem:$0x3FDB];
	_ =	sdelay $0x1  }
0x96: {  	s2 =	simm.s32 $_scs_section_size  }
0x97: {  	s3 =	simm.s32 $_size__tile_overlayer_lowered;
	s4 =	simm.s32 $_tile_overlayer_lowered  }
0x98: {  	s20 =	simm.s32 $0x1BFF;
	s19 =	sshll.u32 s4, $0x1;
	s1 =	sadd.s32 s2, s17  }
0x99: {  	s5 =	simm.s32 $0x0;
	s18 =	sshll.u32 s3, $0x1;
	s3 =	sadd.s32 s19, s1  }
0x9a: {  	[timem:s5], [sflag:s20] =	dma.local [hbm:s3], s18  }
0x9b: {  	_ =	swait.ge [sflag:s20], s18  }
0x9c: {  	s2 =	ssub.s32 $0x0, s18;
	[sflag:s20] =	ssyncset.done $0x0  }
0x9d: {  	[sflag:s20] =	ssyncadd.s32 s2;
	_ =	sdelay $0x1  }
0x9e: {  	s21 =	simm.s32 $0x1B8B  }
0x9f: {  	_ =	swait.ge [sflag:s21], $0x1  }
0xa0: {  	[sflag:s21] =	ssyncset.done $0x0  }
0xa1: {  	s23 =	simm.s32 $0x1B8E;
	s22 =	sld [smem:$0x3FFE];
	[sflag:s21] =	ssyncadd.s32 $0xFFFFFFFF  }
0xa2: {  	s24 =	simm.s32 $execute0_lowered;
	[smem:$0x3FD2] =	sst s23  }
0xa3: {  	s3 =	sshll.u32 s24, $0x1;
	_ =	strace $0x80000046;
	[dreg:$0x1] =	wrdreg $0xFFFFFFFF  }
0xa4: {  	s25 =	simm.s32 $_size_execute0_lowered;
	s1 =	sadd.s32 s1, s3;
	[dreg:$0x0] =	wrdreg $0x0  }
0xa5: {  	s3 =	sshll.u32 s25, $0x1;
	[dreg:$0x2] =	wrdreg s1  }
0xa6: {  	[dreg:$0x3] =	wrdreg s3  }
0xa7: {  	[dreg:$0x4] =	wrdreg $0xC0  }
0xa8: {  	_ =	task [dreg:s5], $0x5FFFF  }
0xa9: {  	[dreg:$0x1] =	wrdreg $0xFFFFFFFF  }
0xaa: {  	[dreg:$0x0] =	wrdreg $0x60  }
0xab: {  	[dreg:$0x2] =	wrdreg s22  }
0xac: {  	[dreg:$0x3] =	wrdreg s0  }
0xad: {  	[dreg:$0x4] =	wrdreg $0x9  }
0xae: {  	_ =	task.clear_ibuf [dreg:s5], $0x5FFFF;
	_ =	strace $0x90000046  }
0xaf: {  	s26 =	simm.s32 $0x9;
	_ =	strace $0x80000048  }
0xb0: {  	_ =	swait.ge [sflag:s26], $0x1  }
0xb1: {  	[sflag:s26] =	ssyncadd.s32 $0xFFFFFFFF  }
0xb2: {  	_ =	strace $0x90000048  }
0xb3: {  	_ =	sfence  }
0xb4: {  	s28 =	sld [smem:$0x0];
	_ =	sdelay $0x1  }
0xb5: {  	s29 =	srdreg.scid  }
0xb6: {  	s30 =	sshll.u32 s29, $0xD;
	s31 =	sshrl.u32 s29, $0x2  }
0xb7: {  	s2 =	sand.u32 $0x4000, s30;
	s1 =	sand.u32 $0x1, s29;
	s0 =	sadd.s32 s31, s28  }
0xb8: {  	s1 =	sor.u32 s2, s1;
	s0 =	sshll.u32 s0, $0x11  }
0xb9: {  	s0 =	sor.u32 s0, s1  }
0xba: {  	s0 =	sadd.s32 $0x8F2B, s0  }
0xbb: {  	[sflag:s0] =	ssyncadd.remote.s32 $0x1  }
0xbc: {  	_ =	sfence.sel $0xFFFF  }
0xbd: {  	[dreg:$0x0] =	wrdreg $0xFFFFFFFF;
	(pc) =	sbr.abs _section_cstart, $3  }
0xbe: {  	[dreg:$0x1] =	wrdreg $0xFFFFFFFF  }
0xbf: {  	_ =	task.clear_ibuf [dreg:s5], $0x2FFFF;
	_ =	strace $0x9FFFFFFF  }
0xc0: {  	(tm) =	ssettm $0x7FFFFFFF  }
0xc1: {  	_ =	shalt  }
tec
execute0_lowered:
.L_overlay_start_1:
0x0: {  	(tag) =	ssettag $0x1  }
0x1: {  	s0 =	rddreg [dreg:$0x0]  }
0x2: {  	s1 =	rddreg [dreg:$0x1];
	s3 =	stileid.u32  }
0x3: {  	s2 =	rddreg [dreg:$0x2];
	_ =	strace $0x80000047;
	p0 =	sne.s32 s3, $0x0  }
0x4: {  	_ =	sfence.sel @p0 $0x180000  }
0x5: {  	[bflag:$0x0] =	sbarrier.arrive @p0 $0xFFFF  }
0x6: {  	_ =	strace @p0 $0x90000047  }
0x7: {  	s0 =	sadd.s32 $0xCA00, s0;
	s3 =	simm.s32 @!p0 $0x0;
	[bflag:$0x2] =	sbarrier.arrive @p0 $0xFFFF  }
0x8: {  	[tilespmem:s3], [sflag:$0x1] =	stream.linear.gather @!p0 [hbm4b:s0+s3], $0x80, $0x38;
	[tilespmem:$0x100] =	vst v63  }
0x9: {  	s0 =	simm.s32 @!p0 $0x1  }
0xa: {  	_ =	swait.ge @!p0 [sflag:s0], $0x80  }
0xb: {  	[sflag:s0] =	ssyncset.done @!p0 $0x0  }
0xc: {  	[sflag:s0] =	ssyncadd.s32 @!p0 $0xFFFFFF80  }
0xd: {  	v0 =	vld @!p0 [tilespmem:$0x0];
	_ =	sdelay $0x4  }
0xe: {  	s4 =	simm.s32 @!p0 $0x80;
	[tilespmem:$0x80] =	vst @!p0 v0  }
0xf: {  	[hbm4b:s1+s3] =	stream.linear.scatter @!p0 [tilespmem:s4], [sflag:$0x1], $0x80, $0x38;
	[tilespmem:$0x100] =	vst v63  }
0x10: {  	_ =	swait.ge @!p0 [sflag:s0], $0x80  }
0x11: {  	[sflag:s0] =	ssyncset.done @!p0 $0x0  }
0x12: {  	[sflag:s0] =	ssyncadd.s32 @!p0 $0xFFFFFF80  }
0x13: {  	_ =	sfence.sel @!p0 $0x180000  }
0x14: {  	[bflag:$0x0] =	sbarrier.arrive @!p0 $0xFFFF  }
0x15: {  	_ =	strace @!p0 $0x90000047  }
0x16: {  	s0 =	sadd.s32 @!p0 $0x100000, s2;
	[bflag:$0x2] =	sbarrier.arrive @!p0 $0xFFFF  }
0x17: {  	[sflag:s0] =	ssyncadd.tile.s32 @!p0 $0x1;
	_ =	shalt  }
.Lfunc_end2:
_tile_overlayer_lowered:
.L_overlay_start_2:
0x18: {  	(tag) =	ssettag $0x2  }
0x19: {  	s0 =	rddreg [dreg:$0x0];
	s2 =	stileid.u32  }
0x1a: {  	s1 =	rddreg [dreg:$0x1];
	p0 =	sne.s32 s2, $0x0  }
0x1b: {  	s3 =	rddreg [dreg:$0x2];
	[bflag:$0x3] =	sbarrier.arrive $0xFFFF;
	s2 =	simm.s32 @!p0 $0x1C01  }
0x1c: {  	[timem:s3], [sflag:s2] =	dma.local @!p0 [hbm:s0], s1  }
0x1d: {  	s0 =	simm.s32 @!p0 $0x1  }
0x1e: {  	_ =	swait.ge @!p0 [sflag:s0], s1  }
0x1f: {  	s1 =	ssub.s32 @!p0 $0x0, s1;
	[sflag:s0] =	ssyncset.done @!p0 $0x0  }
0x20: {  	[sflag:s0] =	ssyncadd.s32 @!p0 s1  }
0x21: {  	[bflag:$0x3] =	sbarrier.arrive $0xFFFF  }
0x22: {  	_ =	shalt  }

</sc_bundles>
